<compile_context>
chip_gen: v7x
topology: tpu7x:2x2x1
jax: 0.10.2.dev20260603
libtpu: 0.0.44.dev20260713+nightly
codegen_flags: <defaults>
</compile_context>

<pallas_src>
import jax
import jax.numpy as jnp
from jax import lax
from jax.experimental import pallas as pl
from jax.experimental.pallas import tpu as pltpu
from jax.experimental.pallas import tpu_sc as plsc

_SCALE = 32.0
_MARGIN = 0.2

_B = 1024
_C = 100000
_NC = 2
_NS = 16
_NW = _NC * _NS
_RPW = _B // _NW
_L = 16
_CB = 4000


def _tc_scale_body(cos_ref, out_ref):
    out_ref[...] = cos_ref[...] * _SCALE


def _sc_fix_body(lab_hbm, o_hbm, labv, idxv, valv, sem):
    wid = lax.axis_index("s") * _NC + lax.axis_index("c")
    r0 = wid * _RPW
    pltpu.sync_copy(lab_hbm.at[pl.ds(r0, _RPW)], labv)
    for j in range(_RPW // _L):
        row = r0 + j * _L + lax.iota(jnp.int32, _L)
        lab = labv[pl.ds(j * _L, _L)]
        idxv[0, pl.ds(j * _L, _L)] = ((lab >> 3) * 8192 + (row >> 7) * 1024
                                      + (lab & 7) * 128 + (row & 127))
    pltpu.async_copy(o_hbm.at[idxv.at[0]], valv, sem).wait()
    for j in range(_RPW // _L):
        s = pl.ds(j * _L, _L)
        valv[s] = valv[s] - (_MARGIN * _SCALE)
    pltpu.async_copy(valv, o_hbm.at[idxv.at[0]], sem).wait()


def _sc_fixup(lab, o_ref):
    mesh = plsc.VectorSubcoreMesh(core_axis_name="c", subcore_axis_name="s")
    pl.kernel(
        _sc_fix_body,
        mesh=mesh,
        compiler_params=pltpu.CompilerParams(needs_layout_passes=False),
        scratch_types=[
            pltpu.VMEM((_RPW,), jnp.int32),
            pltpu.VMEM((1, _RPW), jnp.int32),
            pltpu.VMEM((_RPW,), jnp.float32),
            pltpu.SemaphoreType.DMA,
        ],
    )(lab, o_ref)


def kernel(cosine, label):
    B, C = cosine.shape
    cos_t = cosine.T
    lab = label.astype(jnp.int32)
    scaled_t = pl.pallas_call(
        _tc_scale_body,
        grid=(C // _CB,),
        in_specs=[pl.BlockSpec((_CB, B), lambda i: (i, 0))],
        out_specs=pl.BlockSpec((_CB, B), lambda i: (i, 0)),
        out_shape=jax.ShapeDtypeStruct((C, B), jnp.float32),
        compiler_params=pltpu.CompilerParams(
            vmem_limit_bytes=128 * 1024 * 1024),
    )(cos_t)
    flat = (scaled_t.reshape(C // 8, 8, B // 128, 128)
            .transpose(0, 2, 1, 3).reshape(C * B))
    o_ref = jax.new_ref(flat)
    _sc_fixup(lab, o_ref)
    out_flat = o_ref[...]
    return (out_flat.reshape(C // 8, B // 128, 8, 128)
            .transpose(1, 3, 0, 2).reshape(B, C))

# --- scband reference (transcript-rebuilt; emitter-appended) ---
"""Pipeline reference for scband-add-margin-product-80977313399195 (READ-ONLY COPY).

The authoritative reference and input builder live on the scoring server;
editing this copy changes nothing except your own understanding.
"""

import jax, jax.numpy as jnp
import numpy as np

SCALE = 32.0
MARGIN = 0.2
B = 1024
C = 100000

def setup_inputs(seed: int = 0) -> dict:
    key = jax.random.key(seed)
    k1, k2 = jax.random.split(key)
    cosine = jax.random.uniform(k1, (B, C), dtype=jnp.float32)
    label = jax.random.randint(k2, (B,), 0, C, dtype=jnp.int64)
    return {"cosine": cosine, "label": label}

def reference(cosine, label):
    # phi = cos(theta) - margin applied only at the target class
    phi = cosine - MARGIN
    one_hot = jnp.zeros_like(cosine)
    one_hot = one_hot.at[jnp.arange(cosine.shape[0]), label.astype(jnp.int32)].set(1.0)
    output = one_hot * phi + (1.0 - one_hot) * cosine
    output = output * SCALE
    return output

if __name__ == "__main__":
    import jax
    _d = setup_inputs()
    print(jax.jit(kernel)(*tuple(_d.values())))

</pallas_src>

<mosaic_0001>
#map = affine_map<(d0, d1) -> (0)>
module attributes {stable_mosaic.version = 14 : i64} {
  func.func @new_body(%arg0: i32, %arg1: i32, %arg2: memref<1024xi32, #tpu.memory_space<hbm>>, %arg3: memref<102400000xf32, #tpu.memory_space<hbm>>, %arg4: memref<102400000xf32, #tpu.memory_space<hbm>>, %arg5: memref<32xi32, #tpu.memory_space<vmem>>, %arg6: memref<1x32xi32, #tpu.memory_space<vmem>>, %arg7: memref<32xf32, #tpu.memory_space<vmem>>, %arg8: memref<!tpu.dma_semaphore, #tpu.memory_space<semaphore_mem>>) attributes {dimension_semantics = [#tpu.dimension_semantics<core_parallel>, #tpu.dimension_semantics<subcore_parallel>], iteration_bounds = array<i64: 2, 16>, scalar_prefetch = 0 : i64, scratch_operands = 4 : i64, tpu.core_type = #tpu.core_type<sc_vector_subcore>, window_params = [{transform_indices = #map}, {transform_indices = #map}, {transform_indices = #map}]} {
    %mul3A = arith.constant 2 : i32
    %mul3A_0 = arith.muli %arg1, %mul3A : i32
    %add3A = arith.addi %mul3A_0, %arg0 : i32
    %mul3A_1 = arith.constant 32 : i32
    %mul3A_2 = arith.muli %add3A, %mul3A_1 : i32
    "tpu.region"() ({
      %run_scoped3A = tpu.sem_alloc : memref<!tpu.dma_semaphore, #tpu.memory_space<semaphore_mem>>
      %dma_start3A_103 = tpu.memref_slice %arg2[%mul3A_2] : memref<1024xi32, #tpu.memory_space<hbm>> -> memref<32xi32, #tpu.memory_space<hbm>>
      %dma_start3A_104 = tpu.memref_slice %arg2[%mul3A_2] : memref<1024xi32, #tpu.memory_space<hbm>> -> memref<32xi32, #tpu.memory_space<hbm>>
      tpu.enqueue_dma source(%dma_start3A_104 : memref<32xi32, #tpu.memory_space<hbm>>) target(%arg5 : memref<32xi32, #tpu.memory_space<vmem>>) target_semaphore(%run_scoped3A : memref<!tpu.dma_semaphore, #tpu.memory_space<semaphore_mem>>)
      %dma_wait3A_105 = tpu.memref_slice %arg2[%mul3A_2] : memref<1024xi32, #tpu.memory_space<hbm>> -> memref<32xi32, #tpu.memory_space<hbm>>
      %dma_wait3A_106 = tpu.memref_slice %arg2[%mul3A_2] : memref<1024xi32, #tpu.memory_space<hbm>> -> memref<32xi32, #tpu.memory_space<hbm>>
      tpu.wait_dma2 semaphore(%run_scoped3A : memref<!tpu.dma_semaphore, #tpu.memory_space<semaphore_mem>>) src(%dma_wait3A_106 : memref<32xi32, #tpu.memory_space<hbm>>) dst(%arg5 : memref<32xi32, #tpu.memory_space<vmem>>)
      tpu.yield
    }) : () -> ()
    %add3A_3 = arith.constant 0 : i32
    %add3A_4 = arith.addi %mul3A_2, %add3A_3 : i32
    %iota3A = tpu.iota {dimensions = array<i32: 0>} : vector<16xi32>
    %add3A_5 = vector.broadcast %add3A_4 : i32 to vector<16xi32>
    %add3A_6 = arith.addi %add3A_5, %iota3A : vector<16xi32>
    %get3A = arith.constant 0 : index
    %get3A_7 = tpu.vector_load %arg5[%get3A] {strides = array<i32>} : memref<32xi32, #tpu.memory_space<vmem>>, vector<16xi32>,
    %shift_right_arithmetic3A = arith.constant 3 : i32
    %shift_right_arithmetic3A_8 = vector.broadcast %shift_right_arithmetic3A : i32 to vector<16xi32>
    %shift_right_arithmetic3A_9 = arith.shrsi %get3A_7, %shift_right_arithmetic3A_8 : vector<16xi32>
    %mul3A_10 = arith.constant 8192 : i32
    %mul3A_11 = vector.broadcast %mul3A_10 : i32 to vector<16xi32>
    %mul3A_12 = arith.muli %shift_right_arithmetic3A_9, %mul3A_11 : vector<16xi32>
    %shift_right_arithmetic3A_13 = arith.constant 7 : i32
    %shift_right_arithmetic3A_14 = vector.broadcast %shift_right_arithmetic3A_13 : i32 to vector<16xi32>
    %shift_right_arithmetic3A_15 = arith.shrsi %add3A_6, %shift_right_arithmetic3A_14 : vector<16xi32>
    %mul3A_16 = arith.constant 1024 : i32
    %mul3A_17 = vector.broadcast %mul3A_16 : i32 to vector<16xi32>
    %mul3A_18 = arith.muli %shift_right_arithmetic3A_15, %mul3A_17 : vector<16xi32>
    %add3A_19 = arith.addi %mul3A_12, %mul3A_18 : vector<16xi32>
    %and3A = arith.constant 7 : i32
    %and3A_20 = vector.broadcast %and3A : i32 to vector<16xi32>
    %and3A_21 = arith.andi %get3A_7, %and3A_20 : vector<16xi32>
    %mul3A_22 = arith.constant 128 : i32
    %mul3A_23 = vector.broadcast %mul3A_22 : i32 to vector<16xi32>
    %mul3A_24 = arith.muli %and3A_21, %mul3A_23 : vector<16xi32>
    %add3A_25 = arith.addi %add3A_19, %mul3A_24 : vector<16xi32>
    %and3A_26 = arith.constant 127 : i32
    %and3A_27 = vector.broadcast %and3A_26 : i32 to vector<16xi32>
    %and3A_28 = arith.andi %add3A_6, %and3A_27 : vector<16xi32>
    %add3A_29 = arith.addi %add3A_25, %and3A_28 : vector<16xi32>
    %swap3A = arith.constant 0 : i32
    %swap3A_30 = arith.index_cast %swap3A : i32 to index
    %swap3A_31 = arith.constant 0 : index
    %swap3A_32 = tpu.vector_load %arg6[%swap3A_30, %swap3A_31] {strides = array<i32>} : memref<1x32xi32, #tpu.memory_space<vmem>>, vector<16xi32>,
    tpu.vector_store %arg6[%swap3A_30, %swap3A_31], %add3A_29 {strides = array<i32>} : memref<1x32xi32, #tpu.memory_space<vmem>>, vector<16xi32>,
    %add3A_33 = arith.constant 16 : i32
    %add3A_34 = arith.addi %mul3A_2, %add3A_33 : i32
    %iota3A_35 = tpu.iota {dimensions = array<i32: 0>} : vector<16xi32>
    %add3A_36 = vector.broadcast %add3A_34 : i32 to vector<16xi32>
    %add3A_37 = arith.addi %add3A_36, %iota3A_35 : vector<16xi32>
    %get3A_38 = arith.constant 16 : index
    %get3A_39 = tpu.vector_load %arg5[%get3A_38] {strides = array<i32>} : memref<32xi32, #tpu.memory_space<vmem>>, vector<16xi32>,
    %shift_right_arithmetic3A_40 = arith.constant 3 : i32
    %shift_right_arithmetic3A_41 = vector.broadcast %shift_right_arithmetic3A_40 : i32 to vector<16xi32>
    %shift_right_arithmetic3A_42 = arith.shrsi %get3A_39, %shift_right_arithmetic3A_41 : vector<16xi32>
    %mul3A_43 = arith.constant 8192 : i32
    %mul3A_44 = vector.broadcast %mul3A_43 : i32 to vector<16xi32>
    %mul3A_45 = arith.muli %shift_right_arithmetic3A_42, %mul3A_44 : vector<16xi32>
    %shift_right_arithmetic3A_46 = arith.constant 7 : i32
    %shift_right_arithmetic3A_47 = vector.broadcast %shift_right_arithmetic3A_46 : i32 to vector<16xi32>
    %shift_right_arithmetic3A_48 = arith.shrsi %add3A_37, %shift_right_arithmetic3A_47 : vector<16xi32>
    %mul3A_49 = arith.constant 1024 : i32
    %mul3A_50 = vector.broadcast %mul3A_49 : i32 to vector<16xi32>
    %mul3A_51 = arith.muli %shift_right_arithmetic3A_48, %mul3A_50 : vector<16xi32>
    %add3A_52 = arith.addi %mul3A_45, %mul3A_51 : vector<16xi32>
    %and3A_53 = arith.constant 7 : i32
    %and3A_54 = vector.broadcast %and3A_53 : i32 to vector<16xi32>
    %and3A_55 = arith.andi %get3A_39, %and3A_54 : vector<16xi32>
    %mul3A_56 = arith.constant 128 : i32
    %mul3A_57 = vector.broadcast %mul3A_56 : i32 to vector<16xi32>
    %mul3A_58 = arith.muli %and3A_55, %mul3A_57 : vector<16xi32>
    %add3A_59 = arith.addi %add3A_52, %mul3A_58 : vector<16xi32>
    %and3A_60 = arith.constant 127 : i32
    %and3A_61 = vector.broadcast %and3A_60 : i32 to vector<16xi32>
    %and3A_62 = arith.andi %add3A_37, %and3A_61 : vector<16xi32>
    %add3A_63 = arith.addi %add3A_59, %and3A_62 : vector<16xi32>
    %swap3A_64 = arith.constant 0 : i32
    %swap3A_65 = arith.index_cast %swap3A_64 : i32 to index
    %swap3A_66 = arith.constant 16 : index
    %swap3A_67 = tpu.vector_load %arg6[%swap3A_65, %swap3A_66] {strides = array<i32>} : memref<1x32xi32, #tpu.memory_space<vmem>>, vector<16xi32>,
    tpu.vector_store %arg6[%swap3A_65, %swap3A_66], %add3A_63 {strides = array<i32>} : memref<1x32xi32, #tpu.memory_space<vmem>>, vector<16xi32>,
    %dma_start3A = arith.constant 0 : i32
    %dma_start3A_68 = arith.constant 0 : i32
    %dma_start3A_69 = tpu.memref_slice %arg6[%dma_start3A, %dma_start3A_68] : memref<1x32xi32, #tpu.memory_space<vmem>> -> memref<1x32xi32, #tpu.memory_space<vmem>>
    %dma_start3A_70 = tpu.memref_squeeze %dma_start3A_69 : memref<1x32xi32, #tpu.memory_space<vmem>> -> memref<32xi32, #tpu.memory_space<vmem>>
    %dma_start3A_71 = arith.constant 0 : i32
    %dma_start3A_72 = tpu.memref_slice %arg3[%dma_start3A_71] : memref<102400000xf32, #tpu.memory_space<hbm>> -> memref<102400000xf32, #tpu.memory_space<hbm>>
    tpu.enqueue_indirect_dma source(%dma_start3A_72 : memref<102400000xf32, #tpu.memory_space<hbm>>) target(%arg7 : memref<32xf32, #tpu.memory_space<vmem>>) offsets(%dma_start3A_70 : memref<32xi32, #tpu.memory_space<vmem>>) semaphore(%arg8 : memref<!tpu.dma_semaphore, #tpu.memory_space<semaphore_mem>>)
    %dma_wait3A = arith.constant 0 : i32
    %dma_wait3A_73 = arith.constant 0 : i32
    %dma_wait3A_74 = tpu.memref_slice %arg6[%dma_wait3A, %dma_wait3A_73] : memref<1x32xi32, #tpu.memory_space<vmem>> -> memref<1x32xi32, #tpu.memory_space<vmem>>
    %dma_wait3A_75 = tpu.memref_squeeze %dma_wait3A_74 : memref<1x32xi32, #tpu.memory_space<vmem>> -> memref<32xi32, #tpu.memory_space<vmem>>
    %dma_wait3A_76 = arith.constant 0 : i32
    %dma_wait3A_77 = tpu.memref_slice %arg3[%dma_wait3A_76] : memref<102400000xf32, #tpu.memory_space<hbm>> -> memref<102400000xf32, #tpu.memory_space<hbm>>
    tpu.wait_indirect_dma semaphore(%arg8 : memref<!tpu.dma_semaphore, #tpu.memory_space<semaphore_mem>>) src(%dma_wait3A_77 : memref<102400000xf32, #tpu.memory_space<hbm>>) dst(%arg7 : memref<32xf32, #tpu.memory_space<vmem>>)
    %get3A_78 = arith.constant 0 : index
    %get3A_79 = tpu.vector_load %arg7[%get3A_78] {strides = array<i32>} : memref<32xf32, #tpu.memory_space<vmem>>, vector<16xf32>,
    %sub3A = arith.constant 6.400000e+00 : f32
    %sub3A_80 = vector.broadcast %sub3A : f32 to vector<16xf32>
    %sub3A_81 = arith.subf %get3A_79, %sub3A_80 : vector<16xf32>
    %swap3A_82 = arith.constant 0 : index
    %swap3A_83 = tpu.vector_load %arg7[%swap3A_82] {strides = array<i32>} : memref<32xf32, #tpu.memory_space<vmem>>, vector<16xf32>,
    tpu.vector_store %arg7[%swap3A_82], %sub3A_81 {strides = array<i32>} : memref<32xf32, #tpu.memory_space<vmem>>, vector<16xf32>,
    %get3A_84 = arith.constant 16 : index
    %get3A_85 = tpu.vector_load %arg7[%get3A_84] {strides = array<i32>} : memref<32xf32, #tpu.memory_space<vmem>>, vector<16xf32>,
    %sub3A_86 = arith.constant 6.400000e+00 : f32
    %sub3A_87 = vector.broadcast %sub3A_86 : f32 to vector<16xf32>
    %sub3A_88 = arith.subf %get3A_85, %sub3A_87 : vector<16xf32>
    %swap3A_89 = arith.constant 16 : index
    %swap3A_90 = tpu.vector_load %arg7[%swap3A_89] {strides = array<i32>} : memref<32xf32, #tpu.memory_space<vmem>>, vector<16xf32>,
    tpu.vector_store %arg7[%swap3A_89], %sub3A_88 {strides = array<i32>} : memref<32xf32, #tpu.memory_space<vmem>>, vector<16xf32>,
    %dma_start3A_91 = arith.constant 0 : i32
    %dma_start3A_92 = arith.constant 0 : i32
    %dma_start3A_93 = tpu.memref_slice %arg6[%dma_start3A_91, %dma_start3A_92] : memref<1x32xi32, #tpu.memory_space<vmem>> -> memref<1x32xi32, #tpu.memory_space<vmem>>
    %dma_start3A_94 = tpu.memref_squeeze %dma_start3A_93 : memref<1x32xi32, #tpu.memory_space<vmem>> -> memref<32xi32, #tpu.memory_space<vmem>>
    %dma_start3A_95 = arith.constant 0 : i32
    %dma_start3A_96 = tpu.memref_slice %arg3[%dma_start3A_95] : memref<102400000xf32, #tpu.memory_space<hbm>> -> memref<102400000xf32, #tpu.memory_space<hbm>>
    tpu.enqueue_indirect_dma source(%arg7 : memref<32xf32, #tpu.memory_space<vmem>>) target(%dma_start3A_96 : memref<102400000xf32, #tpu.memory_space<hbm>>) offsets(%dma_start3A_94 : memref<32xi32, #tpu.memory_space<vmem>>) semaphore(%arg8 : memref<!tpu.dma_semaphore, #tpu.memory_space<semaphore_mem>>)
    %dma_wait3A_97 = arith.constant 0 : i32
    %dma_wait3A_98 = arith.constant 0 : i32
    %dma_wait3A_99 = tpu.memref_slice %arg6[%dma_wait3A_97, %dma_wait3A_98] : memref<1x32xi32, #tpu.memory_space<vmem>> -> memref<1x32xi32, #tpu.memory_space<vmem>>
    %dma_wait3A_100 = tpu.memref_squeeze %dma_wait3A_99 : memref<1x32xi32, #tpu.memory_space<vmem>> -> memref<32xi32, #tpu.memory_space<vmem>>
    %dma_wait3A_101 = arith.constant 0 : i32
    %dma_wait3A_102 = tpu.memref_slice %arg3[%dma_wait3A_101] : memref<102400000xf32, #tpu.memory_space<hbm>> -> memref<102400000xf32, #tpu.memory_space<hbm>>
    tpu.wait_indirect_dma semaphore(%arg8 : memref<!tpu.dma_semaphore, #tpu.memory_space<semaphore_mem>>) src(%arg7 : memref<32xf32, #tpu.memory_space<vmem>>) dst(%dma_wait3A_102 : memref<102400000xf32, #tpu.memory_space<hbm>>)
    return
  }
}

module attributes {stable_mosaic.version = 14 : i64} {
  func.func @_tc_scale_body(%arg0: i32, %arg1: memref<4000x1024xf32, #tpu.memory_space<vmem>>, %arg2: memref<4000x1024xf32, #tpu.memory_space<vmem>>) attributes {dimension_semantics = [#tpu.dimension_semantics<arbitrary>], iteration_bounds = array<i64: 25>, scalar_prefetch = 0 : i64, scratch_operands = 0 : i64, tpu.core_type = #tpu.core_type<tc>, window_params = [{transform_indices = @transform_0, window_bounds = array<i64: 4000, 1024>}, {transform_indices = @transform_1, window_bounds = array<i64: 4000, 1024>}]} {
    %get3A = arith.constant 0 : index
    %get3A_0 = arith.constant 0 : index
    %get3A_1 = vector.load %arg1[%get3A, %get3A_0] : memref<4000x1024xf32, #tpu.memory_space<vmem>>, vector<4000x1024xf32>
    %mul3A = arith.constant 3.200000e+01 : f32
    %mul3A_2 = vector.broadcast %mul3A : f32 to vector<4000x1024xf32>
    %mul3A_3 = arith.mulf %get3A_1, %mul3A_2 : vector<4000x1024xf32>
    %swap3A = arith.constant 0 : index
    %swap3A_4 = arith.constant 0 : index
    %swap3A_5 = vector.load %arg2[%swap3A, %swap3A_4] : memref<4000x1024xf32, #tpu.memory_space<vmem>>, vector<4000x1024xf32>
    tpu.vector_store %arg2[%swap3A, %swap3A_4], %mul3A_3 {strides = array<i32>} : memref<4000x1024xf32, #tpu.memory_space<vmem>>, vector<4000x1024xf32>,
    return
  }
  func.func @transform_0(%arg0: i32) -> (i32, i32) {
    %c0_i32 = arith.constant 0 : i32
    %c0_i32_0 = arith.constant 0 : i32
    return %arg0, %c0_i32 : i32, i32
  }
  func.func @transform_1(%arg0: i32) -> (i32, i32) {
    %c0_i32 = arith.constant 0 : i32
    %c0_i32_0 = arith.constant 0 : i32
    return %arg0, %c0_i32 : i32, i32
  }
}

</mosaic_0001>

<sc_bundles>
// kernel: kernel.4.cloned.1.call-start
scs
__scs_entry_jumppad:
0x0: {  	(pc) =	sbr.rel $0x88, $3  }
0x1: {  	(tag) =	ssettag $0x0;
	lr =	simm.s32 $0x1  }
0x2: {  	[smem:$0x3F9F] =	sst lr;
	_ =	strace $0xD0000000  }
0x3: {  	_ = 	snop  }
0x4: {  	_ = 	snop  }
0x5: {  	_ = 	snop  }
0x6: {  	_ = 	snop  }
0x7: {  	_ = 	snop  }
__scs_overlays_trampoline_lowered:
0x8: {  	[smem:$0x3FAE] =	sst s0  }
0x9: {  	[smem:$0x3FAF] =	sst s1  }
0xa: {  	[smem:$0x3FB0] =	sst s2  }
0xb: {  	[smem:$0x3FB1] =	sst s3  }
0xc: {  	[smem:$0x3FB2] =	sst s4  }
0xd: {  	[smem:$0x3FB3] =	sst s5  }
0xe: {  	[smem:$0x3FB4] =	sst s6  }
0xf: {  	[smem:$0x3FB5] =	sst s7  }
0x10: {  	[smem:$0x3FB6] =	sst s8  }
0x11: {  	[smem:$0x3FB7] =	sst s9;
	s0 =	simm.s32 @!p0 $0x0  }
0x12: {  	s1 =	sld [smem:$0x3F9D];
	s0 =	simm.s32 @p0 $0x1  }
0x13: {  	[smem:$0x3FB8] =	sst s0;
	s0 =	simm.s32 @!p1 $0x0  }
0x14: {  	s2 =	sld [smem:$0x3F9C];
	s0 =	simm.s32 @p1 $0x1  }
0x15: {  	[smem:$0x3FB9] =	sst s0;
	s0 =	simm.s32 @!p2 $0x0  }
0x16: {  	s3 =	sld [smem:$0x3FDB];
	s0 =	simm.s32 @p2 $0x1  }
0x17: {  	s4 =	simm.s32 $0x1BF5;
	[smem:$0x3FBB] =	sst s0  }
0x18: {  	s0 =	sld [smem:$0x3F9E];
	_ =	swait.ge [sflag:s4], $0x0  }
0x19: {  	s7 =	sld [smem:$0x3F9F]  }
0x1a: {  	s8 =	sadd.s32 $0xFFFFE003, lr  }
0x1b: {  	s9 =	sadd.s32 $0xFFFFFEF7, lr;
	s5 =	simm.s32 $0xFFFFFFFF;
	p2 =	slt.u32 s8, $0xFFFFF086  }
0x1c: {  	p1 =	slt.u32 s9, $0xF7A;
	s5 =	simm.s32 @!p2 $0x0  }
0x1d: {  	s5 =	simm.s32 @p1 $0x1;
	p0 =	seq.s32 s7, s2  }
0x1e: {  	s7 =	smul.u32 @!p0 $0xF7A, s2;
	p2 =	seq.s32 @!p0 s5, $0x0  }
0x1f: {  	s9 =	smul.u32 $0xF7A, s1;
	s8 =	simm.s32 @!p0 $0x1BF5;
	p2 =	por !p2, p0  }
0x20: {  	[sflag:s8] =	ssyncset.s32 @!p0 $0xFFFFF086;
	s6 =	sadd.s32 @!p0 s3, s7;
	s7 =	simm.s32 @!p0 $0x108  }
0x21: {  	s3 =	sadd.s32 s3, s9;
	s6 =	sadd.s32 @!p0 $0x88, s6;
	s7 =	simm.s32 @p2 $0x1082  }
0x22: {  	[simem:s7], [sflag:s8] =	dma.local @!p0 [hbm:s6], $0xF7A  }
0x23: {  	s9 =	sor.u32 $0xD0000000, s2;
	s6 =	simm.s32 $0x108;
	_ =	swait.ge @!p0 [sflag:s8], $0x0  }
0x24: {  	s3 =	sadd.s32 $0x88, s3;
	s6 =	simm.s32 @!p1 $0x1082;
	[sflag:s4] =	ssyncset.s32 $0xFFFFF086  }
0x25: {  	[simem:s6], [sflag:s4] =	dma.local [hbm:s3], $0xF7A  }
0x26: {  	[smem:$0x3F9F] =	sst s1;
	(tag) =	ssettag s2;
	_ =	strace s9  }
0x27: {  	s1 =	sld [smem:$0x3FAF]  }
0x28: {  	s2 =	sld [smem:$0x3FB0]  }
0x29: {  	s4 =	sld [smem:$0x3FB2]  }
0x2a: {  	p0 =	seq.s32 s5, $0x0;
	s5 =	sld [smem:$0x3FB3]  }
0x2b: {  	s6 =	sld [smem:$0x3FB4]  }
0x2c: {  	s7 =	sld [smem:$0x3FB5]  }
0x2d: {  	s3 =	simm.s32 $0x108;
	s8 =	sld [smem:$0x3FB6]  }
0x2e: {  	s3 =	simm.s32 @!p0 $0x1082;
	s9 =	sld [smem:$0x3FB7]  }
0x2f: {  	lr =	sadd.s32 s0, s3;
	s0 =	sld [smem:$0x3FAE]  }
0x30: {  	s3 =	sld [smem:$0x3FB1]  }
0x31: {  	[smem:$0x3FBA] =	sst s10  }
0x32: {  	s10 =	sld [smem:$0x3FB8];
	_ =	sdelay $0x3  }
0x33: {  	p0 =	seq.s32 s10, $0x1;
	s10 =	sld [smem:$0x3FBA];
	_ =	sdelay $0x3  }
0x34: {  	[smem:$0x3FBA] =	sst s10  }
0x35: {  	s10 =	sld [smem:$0x3FB9];
	_ =	sdelay $0x3  }
0x36: {  	p1 =	seq.s32 s10, $0x1;
	s10 =	sld [smem:$0x3FBA];
	_ =	sdelay $0x3  }
0x37: {  	[smem:$0x3FBA] =	sst s10  }
0x38: {  	s10 =	sld [smem:$0x3FBB]  }
0x39: {  	_ = 	snop;
	(pc) =	sbr.ind lr, $3  }
0x3a: {  	_ = 	snop  }
0x3b: {  	_ = 	snop  }
0x3c: {  	p2 =	seq.s32 s10, $0x1;
	s10 =	sld [smem:$0x3FBA]  }
0x3d: {  	_ =	shalt  }
0x3e: {  	_ =	shalt  }
0x3f: {  	_ =	shalt  }
0x40: {  	_ =	shalt  }
0x41: {  	_ =	shalt  }
0x42: {  	_ =	shalt  }
0x43: {  	_ =	shalt  }
0x44: {  	_ =	shalt  }
0x45: {  	_ =	shalt  }
0x46: {  	_ =	shalt  }
0x47: {  	_ =	shalt  }
0x48: {  	_ =	shalt  }
0x49: {  	_ =	shalt  }
0x4a: {  	_ =	shalt  }
0x4b: {  	_ =	shalt  }
0x4c: {  	_ =	shalt  }
0x4d: {  	_ =	shalt  }
0x4e: {  	_ =	shalt  }
0x4f: {  	_ =	shalt  }
0x50: {  	_ =	shalt  }
0x51: {  	_ =	shalt  }
0x52: {  	_ =	shalt  }
0x53: {  	_ =	shalt  }
0x54: {  	_ =	shalt  }
0x55: {  	_ =	shalt  }
0x56: {  	_ =	shalt  }
0x57: {  	_ =	shalt  }
0x58: {  	_ =	shalt  }
0x59: {  	_ =	shalt  }
0x5a: {  	_ =	shalt  }
0x5b: {  	_ =	shalt  }
0x5c: {  	_ =	shalt  }
0x5d: {  	_ =	shalt  }
0x5e: {  	_ =	shalt  }
0x5f: {  	_ =	shalt  }
0x60: {  	_ =	shalt  }
0x61: {  	_ =	shalt  }
0x62: {  	_ =	shalt  }
0x63: {  	_ =	shalt  }
0x64: {  	_ =	shalt  }
0x65: {  	_ =	shalt  }
0x66: {  	_ =	shalt  }
0x67: {  	_ =	shalt  }
0x68: {  	_ =	shalt  }
0x69: {  	_ =	shalt  }
0x6a: {  	_ =	shalt  }
0x6b: {  	_ =	shalt  }
0x6c: {  	_ =	shalt  }
0x6d: {  	_ =	shalt  }
0x6e: {  	_ =	shalt  }
0x6f: {  	_ =	shalt  }
0x70: {  	_ =	shalt  }
0x71: {  	_ =	shalt  }
0x72: {  	_ =	shalt  }
0x73: {  	_ =	shalt  }
0x74: {  	_ =	shalt  }
0x75: {  	_ =	shalt  }
0x76: {  	_ =	shalt  }
0x77: {  	_ =	shalt  }
0x78: {  	_ =	shalt  }
0x79: {  	_ =	shalt  }
0x7a: {  	_ =	shalt  }
0x7b: {  	_ =	shalt  }
0x7c: {  	_ =	shalt  }
0x7d: {  	_ =	shalt  }
0x7e: {  	_ =	shalt  }
0x7f: {  	_ =	shalt  }
0x80: {  	_ =	shalt  }
0x81: {  	_ =	shalt  }
0x82: {  	_ =	shalt  }
0x83: {  	_ =	shalt  }
0x84: {  	_ =	shalt  }
0x85: {  	_ =	shalt  }
0x86: {  	_ =	shalt  }
0x87: {  	_ =	shalt  }
.Lfunc_end0:
.L_simem_size_0:
called_computation_lowered:
.L_overlay_start_0:
0x88: {  	s2 =	sld [smem:$0x3FD9]  }
0x89: {  	s3 =	sld [smem:$0x3FFE];
	_ =	sdelay $0x1  }
0x8a: {  	s1 =	srdreg.scid  }
0x8b: {  	s0 =	sand.u32 $0x1, s1  }
0x8c: {  	s18 =	sshll.u32 s0, $0xA;
	s2 =	sadd.s32 s3, s2  }
0x8d: {  	s2 =	sadd.s32 s2, s18  }
0x8e: {  	[smem:$0x3FC6] =	sst s2  }
0x8f: {  	_ = 	snop  }
0x90: {  	s2 =	sld [smem:$0x3FC8]  }
0x91: {  	s19 =	sld [smem:$0x3FD0];
	(tm) =	ssettm $0x1  }
0x92: {  	s4 =	sld [smem:$0x3FFB];
	_ =	sdelay $0x3  }
0x93: {  	_ =	strace s4  }
0x94: {  	s4 =	sld [smem:$0x3FFC];
	_ =	sdelay $0x3  }
0x95: {  	_ =	strace s4  }
0x96: {  	s4 =	sld [smem:$0x3FFD];
	_ =	sdelay $0x3  }
0x97: {  	_ =	strace s4  }
0x98: {  	_ =	strace $0x8FFFFFFF  }
0x99: {  	s20 =	sld [smem:$0x3FDB];
	_ =	sdelay $0x1  }
0x9a: {  	s5 =	simm.s32 $_scs_section_size  }
0x9b: {  	s6 =	simm.s32 $_size__tile_overlayer_lowered;
	s7 =	simm.s32 $_tile_overlayer_lowered  }
0x9c: {  	s23 =	simm.s32 $0x1BFF;
	s22 =	sshll.u32 s7, $0x1;
	s4 =	sadd.s32 s5, s20  }
0x9d: {  	s8 =	simm.s32 $0x0;
	s21 =	sshll.u32 s6, $0x1;
	s6 =	sadd.s32 s22, s4  }
0x9e: {  	[timem:s8], [sflag:s23] =	dma.local [hbm:s6], s21  }
0x9f: {  	_ =	swait.ge [sflag:s23], s21  }
0xa0: {  	s5 =	ssub.s32 $0x0, s21;
	[sflag:s23] =	ssyncset.done $0x0  }
0xa1: {  	[sflag:s23] =	ssyncadd.s32 s5;
	_ =	sdelay $0x1  }
0xa2: {  	s24 =	simm.s32 $0x1B8B  }
0xa3: {  	_ =	swait.ge [sflag:s24], $0x1  }
0xa4: {  	[sflag:s24] =	ssyncset.done $0x0  }
0xa5: {  	s25 =	simm.s32 $0x1B8E;
	[sflag:s24] =	ssyncadd.s32 $0xFFFFFFFF  }
0xa6: {  	s26 =	simm.s32 $execute0_lowered;
	[smem:$0x3FD2] =	sst s25  }
0xa7: {  	s5 =	sshll.u32 s26, $0x1;
	_ =	strace $0x80000046;
	[dreg:$0x1] =	wrdreg $0xFFFFFFFF  }
0xa8: {  	s28 =	simm.s32 $_size_execute0_lowered;
	s4 =	sadd.s32 s4, s5;
	[dreg:$0x0] =	wrdreg $0x0  }
0xa9: {  	s5 =	sshll.u32 s28, $0x1;
	[dreg:$0x2] =	wrdreg s4  }
0xaa: {  	[dreg:$0x3] =	wrdreg s5  }
0xab: {  	[dreg:$0x4] =	wrdreg $0xC0  }
0xac: {  	_ =	task [dreg:s8], $0x5FFFF  }
0xad: {  	[dreg:$0x1] =	wrdreg $0xFFFFFFFF  }
0xae: {  	[dreg:$0x0] =	wrdreg $0x60  }
0xaf: {  	[dreg:$0x2] =	wrdreg s2  }
0xb0: {  	[dreg:$0x3] =	wrdreg s19  }
0xb1: {  	[dreg:$0x4] =	wrdreg $0x9  }
0xb2: {  	_ =	task.clear_ibuf [dreg:s8], $0x5FFFF;
	_ =	strace $0x90000046  }
0xb3: {  	s29 =	simm.s32 $0x9;
	_ =	strace $0x80000048  }
0xb4: {  	_ =	swait.ge [sflag:s29], $0x1  }
0xb5: {  	[sflag:s29] =	ssyncadd.s32 $0xFFFFFFFF  }
0xb6: {  	_ =	strace $0x90000048  }
0xb7: {  	_ =	sfence  }
0xb8: {  	s30 =	sld [smem:$0x0];
	_ =	sdelay $0x2  }
0xb9: {  	s31 =	sshll.u32 s1, $0xD;
	s1 =	sshrl.u32 s1, $0x2  }
0xba: {  	s3 =	sand.u32 $0x4000, s31;
	s1 =	sadd.s32 s1, s30  }
0xbb: {  	s0 =	sor.u32 s3, s0;
	s1 =	sshll.u32 s1, $0x11  }
0xbc: {  	s0 =	sor.u32 s1, s0  }
0xbd: {  	s0 =	sadd.s32 $0x8F2B, s0  }
0xbe: {  	[sflag:s0] =	ssyncadd.remote.s32 $0x1  }
0xbf: {  	_ =	sfence.sel $0xFFFF  }
0xc0: {  	[dreg:$0x0] =	wrdreg $0xFFFFFFFF;
	(pc) =	sbr.abs _section_cstart, $3  }
0xc1: {  	[dreg:$0x1] =	wrdreg $0xFFFFFFFF  }
0xc2: {  	_ =	task.clear_ibuf [dreg:s8], $0x2FFFF;
	_ =	strace $0x9FFFFFFF  }
0xc3: {  	(tm) =	ssettm $0x7FFFFFFF  }
tec
execute0_lowered:
.L_overlay_start_1:
0x0: {  	(tag) =	ssettag $0x1  }
0x1: {  	s1 =	srdreg.scid  }
0x2: {  	s4 =	rddreg [dreg:$0x0];
	s0 =	stileid.u32;
	s10 =	sand.u32 $0x1, s1  }
0x3: {  	s2 =	rddreg [dreg:$0x1];
	s5 =	sshll.u32 s0, $0x6;
	s6 =	sshll.u32 s10, $0x5  }
0x4: {  	s3 =	simm.s32 $0x0;
	s1 =	rddreg [dreg:$0x2];
	s6 =	sor.u32 s6, s5  }
0x5: {  	[smem:$0x7FF] =	sst s3;
	s5 =	sshrl.u32 s6, $0x3  }
0x6: {  	_ =	strace $0x80000047;
	s4 =	sadd.s32 s4, s5;
	s5 =	simm.s32 $0x2  }
0x7: {  	[tilespmem:s3], [sflag:$0x2] =	stream.linear.gather [hbm4b:s4+s3], $0x20, $0x38;
	[tilespmem:$0x180] =	vst v63  }
0x8: {  	_ =	swait.ge [sflag:s5], $0x20  }
0x9: {  	[sflag:s5] =	ssyncset.done $0x0  }
0xa: {  	[sflag:s5] =	ssyncadd.s32 $0xFFFFFFE0  }
0xb: {  	v3 =	vld [tilespmem:$0x10]  }
0xc: {  	v1 =	vlaneseq.u32;
	v0 =	vmov s6;
	v4 =	vld [tilespmem:$0x0]  }
0xd: {  	v2 =	vor.u32 s6, v1;
	s6 =	sor.u32 $0x10, s6;
	v0 =	vshll.u32 v0, $0x3  }
0xe: {  	v2 =	vand.u32 $0x6F, v2;
	v5 =	vmov s6;
	v0 =	vand.u32 $0x1C00, v0  }
0xf: {  	v0 =	vor.u32 v0, v2;
	v2 =	vshll.u32 v5, $0x3  }
0x10: {  	v59 =	vor.u32 s6, v1;
	v1 =	vand.u32 $0x7FFFFC00, v2;
	v6 =	vshll.u32 v3, $0xA  }
0x11: {  	v3 =	vshll.u32 v3, $0x7;
	v61 =	vshll.u32 v4, $0xA;
	v4 =	vshll.u32 v4, $0x7  }
0x12: {  	v60 =	vand.u32 $0xFFFFE000, v6;
	v3 =	vand.u32 $0x380, v3;
	v6 =	vand.u32 $0xFFFFE000, v61  }
0x13: {  	v4 =	vand.u32 $0x380, v4;
	v5 =	vadd.s32 v1, v60;
	v62 =	vor.u32 v6, v0  }
0x14: {  	v2 =	vand.u32 $0x7F, v59;
	v3 =	vor.u32 v3, v5;
	v4 =	vor.u32 v4, v62  }
0x15: {  	s8 =	simm.s32 $0x80;
	v3 =	vor.u32 v2, v3;
	[tilespmem:$0x80] =	vst v4  }
0x16: {  	s9 =	simm.s32 $0x100;
	s7 =	simm.s32 $0x1;
	s6 =	simm.s32 $0x20;
	[tilespmem:$0x90] =	vst v3  }
0x17: {  	[tilespmem:s9], [sflag:$0x1] =	stream.indirect.gather [hbm4b:s2+s6], $0x1, s8, s6, $0xb8;
	[tilespmem:$0x180] =	vst v63  }
0x18: {  	_ =	swait.ge [sflag:s7], $0x20  }
0x19: {  	[sflag:s7] =	ssyncset.done $0x0  }
0x1a: {  	[sflag:s7] =	ssyncadd.s32 $0xFFFFFFE0  }
0x1b: {  	s10 =	ssub.s32 $0x2, s10;
	v3 =	vld [tilespmem:$0x100]  }
0x1c: {  	s11 =	sshrl.u32 s10, $0x1;
	v63 =	vld [tilespmem:$0x110]  }
0x1d: {  	s10 =	ssub.s32 s10, s11  }
0x1e: {  	s10 =	smax.u32 s10, $0x1  }
0x1f: {  	p0 =	sne.s32 s10, $0x1  }
.Ltmp0:
0x20: {  	v3 =	vadd.f32 $-6.400000100e+00, v3;
	(pc) =	sbr.rel @!p0 .LBB2_2-.Ltmp0, $4  }
0x21: {  	v4 =	vadd.f32 $-6.400000100e+00, v63  }
0x22: {  	[tilespmem:$0x100] =	vst v3  }
0x23: {  	s10 =	sadd.s32 $0xFFFFFFFF, s10;
	[tilespmem:$0x110] =	vst v4  }
0x24: {  	[hbm4b:s2+s6] =	stream.indirect.scatter [tilespmem:s9], [sflag:$0x1], $0x1, s8, s6, $0xb8;
	[tilespmem:$0x180] =	vst v63  }
.LBB2_1:
0x25: {  	p0 =	sne.s32 s10, $0x1;
	s10 =	sadd.s32 $0xFFFFFFFF, s10;
	_ =	swait.ge [sflag:s7], $0x20  }
0x26: {  	[sflag:s7] =	ssyncset.done $0x0  }
0x27: {  	[sflag:s7] =	ssyncadd.s32 $0xFFFFFFE0  }
0x28: {  	[tilespmem:s3], [sflag:$0x2] =	stream.linear.gather [hbm4b:s4+s3], $0x20, $0x38;
	[tilespmem:$0x180] =	vst v63  }
0x29: {  	_ =	swait.ge [sflag:s5], $0x20  }
0x2a: {  	[sflag:s5] =	ssyncset.done $0x0  }
0x2b: {  	[sflag:s5] =	ssyncadd.s32 $0xFFFFFFE0  }
0x2c: {  	v3 =	vld [tilespmem:$0x10]  }
0x2d: {  	v4 =	vld [tilespmem:$0x0];
	_ =	sdelay $0x3  }
0x2e: {  	v5 =	vshll.u32 v3, $0xA;
	v3 =	vshll.u32 v3, $0x7  }
0x2f: {  	v6 =	vshll.u32 v4, $0xA;
	v4 =	vshll.u32 v4, $0x7;
	v5 =	vand.u32 $0xFFFFE000, v5  }
0x30: {  	v3 =	vand.u32 $0x380, v3;
	v6 =	vand.u32 $0xFFFFE000, v6;
	v5 =	vadd.s32 v1, v5  }
0x31: {  	v4 =	vand.u32 $0x380, v4;
	v6 =	vor.u32 v6, v0;
	v3 =	vor.u32 v3, v5  }
0x32: {  	v4 =	vor.u32 v4, v6;
	v3 =	vor.u32 v2, v3  }
0x33: {  	[tilespmem:$0x90] =	vst v3  }
0x34: {  	[tilespmem:$0x80] =	vst v4  }
0x35: {  	[tilespmem:s9], [sflag:$0x1] =	stream.indirect.gather [hbm4b:s2+s6], $0x1, s8, s6, $0xb8;
	[tilespmem:$0x180] =	vst v63  }
0x36: {  	_ =	swait.ge [sflag:s7], $0x20  }
0x37: {  	[sflag:s7] =	ssyncset.done $0x0  }
0x38: {  	[sflag:s7] =	ssyncadd.s32 $0xFFFFFFE0  }
0x39: {  	v3 =	vld [tilespmem:$0x100]  }
0x3a: {  	v4 =	vld [tilespmem:$0x110];
	_ =	sdelay $0x3  }
.Ltmp1:
0x3b: {  	v3 =	vadd.f32 $-6.400000100e+00, v3;
	(pc) =	sbr.rel @p0 .LBB2_1-.Ltmp1, $4  }
0x3c: {  	v4 =	vadd.f32 $-6.400000100e+00, v4  }
0x3d: {  	[tilespmem:$0x100] =	vst v3  }
0x3e: {  	[tilespmem:$0x110] =	vst v4  }
0x3f: {  	[hbm4b:s2+s6] =	stream.indirect.scatter [tilespmem:s9], [sflag:$0x1], $0x1, s8, s6, $0xb8;
	[tilespmem:$0x180] =	vst v63  }
.LBB2_2:
0x40: {  	_ =	swait.ge [sflag:s7], $0x20  }
0x41: {  	[sflag:s7] =	ssyncset.done $0x0  }
0x42: {  	[sflag:s7] =	ssyncadd.s32 $0xFFFFFFE0  }
0x43: {  	_ =	sfence.sel $0x180000  }
0x44: {  	[bflag:$0x0] =	sbarrier.arrive $0xFFFF  }
0x45: {  	p0 =	sne.s32 s0, $0x0;
	_ =	strace $0x90000047  }
0x46: {  	s0 =	sadd.s32 @!p0 $0x100000, s1;
	[bflag:$0x2] =	sbarrier.arrive $0xFFFF  }
0x47: {  	[sflag:s0] =	ssyncadd.tile.s32 @!p0 $0x1;
	_ =	shalt  }
.Lfunc_end2:
_tile_overlayer_lowered:
.L_overlay_start_2:
0x48: {  	(tag) =	ssettag $0x2  }
0x49: {  	s0 =	rddreg [dreg:$0x0];
	s2 =	stileid.u32  }
0x4a: {  	s1 =	rddreg [dreg:$0x1];
	p0 =	sne.s32 s2, $0x0  }
0x4b: {  	s3 =	rddreg [dreg:$0x2];
	[bflag:$0x3] =	sbarrier.arrive $0xFFFF;
	s2 =	simm.s32 @!p0 $0x1C02  }
0x4c: {  	[timem:s3], [sflag:s2] =	dma.local @!p0 [hbm:s0], s1  }
0x4d: {  	s0 =	simm.s32 @!p0 $0x2  }
0x4e: {  	_ =	swait.ge @!p0 [sflag:s0], s1  }
0x4f: {  	s1 =	ssub.s32 @!p0 $0x0, s1;
	[sflag:s0] =	ssyncset.done @!p0 $0x0  }
0x50: {  	[sflag:s0] =	ssyncadd.s32 @!p0 s1  }
0x51: {  	[bflag:$0x3] =	sbarrier.arrive $0xFFFF  }
0x52: {  	_ =	shalt  }

</sc_bundles>
